<compile_context>
chip_gen: v7x
topology: tpu7x:2x2x1
jax: 0.10.2.dev20260603
libtpu: 0.0.44.dev20260713+nightly
codegen_flags: <defaults>
</compile_context>

<pallas_src>
import functools

import jax
import jax.numpy as jnp
from jax import lax
from jax.experimental import pallas as pl
from jax.experimental.pallas import tpu as pltpu
from jax.experimental.pallas import tpu_sc as plsc

_VOCAB = 100000
_EMB_DIM = 200
_CTX = 2
_HIDDEN = 128

_TILE = 4096
_STREAMS = 4
_STEP = _TILE * _STREAMS
_NT = (_VOCAB + _STEP - 1) // _STEP
_NSUB = (_VOCAB + _TILE - 1) // _TILE
_LAST_SUB = _NSUB - 1
_LAST_START = _LAST_SUB * _TILE
_LAST_W = _VOCAB - _LAST_START


def _sc_gather(emb, idx):
    mesh = plsc.VectorSubcoreMesh(core_axis_name="c", subcore_axis_name="s")

    @functools.partial(
        pl.kernel,
        mesh=mesh,
        out_type=jax.ShapeDtypeStruct((_CTX, _EMB_DIM), jnp.float32),
        scratch_types=[
            pltpu.VMEM((16,), jnp.int32),
            pltpu.VMEM((_CTX, _EMB_DIM), jnp.float32),
        ],
    )
    def k(emb_hbm, idx_hbm, out_hbm, idx_v, rows_v):
        wid = lax.axis_index("s") * 2 + lax.axis_index("c")

        @pl.when(wid == 0)
        def _():
            pltpu.sync_copy(idx_hbm, idx_v.at[pl.ds(0, _CTX)])
            lanes = idx_v[...]
            for r in range(_CTX):
                row = lanes[r]
                pltpu.sync_copy(emb_hbm.at[pl.ds(row, 1), :],
                                rows_v.at[pl.ds(r, 1), :])
            pltpu.sync_copy(rows_v, out_hbm)

    return k(emb, idx)


def _k1_body(emb_ref, w1_ref, b1_ref, *refs):
    w2_refs = refs[:_STREAMS]
    b2_refs = refs[_STREAMS:2 * _STREAMS]
    out_ref = refs[2 * _STREAMS]
    h_ref = refs[2 * _STREAMS + 1]
    i = pl.program_id(0)

    @pl.when(i == 0)
    def _():
        h = jnp.dot(emb_ref[...], w1_ref[...],
                    preferred_element_type=jnp.float32) + b1_ref[...]
        h_ref[...] = jnp.maximum(h, 0.0)

    for s in range(_STREAMS):
        t = jnp.dot(h_ref[...], w2_refs[s][...],
                    preferred_element_type=jnp.float32) + b2_refs[s][...]
        j = i * _STREAMS + s
        @pl.when(j * _TILE + _TILE <= _VOCAB)
        def _(t=t, j=j):
            out_ref[:, pl.ds(j * _TILE, _TILE)] = t

        if (_LAST_SUB - s) % _STREAMS == 0 and _LAST_W < _TILE:
            @pl.when(j == _LAST_SUB)
            def _(t=t):
                out_ref[:, _LAST_START:_VOCAB] = t[:, :_LAST_W]

    @pl.when(i == _NT - 1)
    def _():
        x = out_ref[...]
        mx = jnp.max(x)
        lse = mx + jnp.log(jnp.sum(jnp.exp(x - mx)))
        out_ref[...] = x - lse


def _mlp(embeds, W1, b1, W2, b2, interpret=False):
    def _sub(i, s):
        return jnp.minimum(i * _STREAMS + s, _LAST_SUB)

    w2_specs = [
        pl.BlockSpec((_HIDDEN, _TILE), lambda i, s=s: (0, _sub(i, s)))
        for s in range(_STREAMS)
    ]
    b2_specs = [
        pl.BlockSpec((1, _TILE), lambda i, s=s: (0, _sub(i, s)))
        for s in range(_STREAMS)
    ]
    b2r = b2.reshape(1, _VOCAB)
    return pl.pallas_call(
        _k1_body,
        grid=(_NT,),
        in_specs=[
            pl.BlockSpec((1, _CTX * _EMB_DIM), lambda i: (0, 0)),
            pl.BlockSpec((_CTX * _EMB_DIM, _HIDDEN), lambda i: (0, 0)),
            pl.BlockSpec((1, _HIDDEN), lambda i: (0, 0)),
        ] + w2_specs + b2_specs,
        out_specs=pl.BlockSpec((1, _VOCAB), lambda i: (0, 0)),
        out_shape=jax.ShapeDtypeStruct((1, _VOCAB), jnp.float32),
        scratch_shapes=[
            pltpu.VMEM((1, _HIDDEN), jnp.float32),
        ],
        interpret=interpret,
    )(embeds, W1, b1.reshape(1, _HIDDEN),
      *([W2] * _STREAMS), *([b2r] * _STREAMS))


def kernel(inputs, emb, W1, b1, W2, b2):
    rows = _sc_gather(emb, inputs.astype(jnp.int32))
    embeds = rows.reshape(1, _CTX * _EMB_DIM)
    return _mlp(embeds, W1, b1, W2, b2)

# --- scband reference (transcript-rebuilt; emitter-appended) ---
"""Pipeline reference for scband-youtube-neural-network-48232482734315 (READ-ONLY COPY).

The authoritative reference and input builder live on the scoring server;
editing this copy changes nothing except your own understanding.
"""

import jax, jax.numpy as jnp
import numpy as np

VOCAB = 100000
EMB_DIM = 200
CTX = 2
HIDDEN = 128

def setup_inputs(seed: int = 0) -> dict:
    key = jax.random.key(seed)
    k1, k2, k3, k4, k5, k6 = jax.random.split(key, 6)
    inputs = jax.random.randint(k1, (CTX,), 0, VOCAB, dtype=jnp.int64) if jax.config.jax_enable_x64 else jax.random.randint(k1, (CTX,), 0, VOCAB, dtype=jnp.int32)
    emb = jax.random.normal(k2, (VOCAB, EMB_DIM), dtype=jnp.float32)
    W1 = jax.random.normal(k3, (CTX * EMB_DIM, HIDDEN), dtype=jnp.float32) * (1.0 / np.sqrt(CTX * EMB_DIM))
    b1 = jax.random.normal(k4, (HIDDEN,), dtype=jnp.float32) * 0.01
    W2 = jax.random.normal(k5, (HIDDEN, VOCAB), dtype=jnp.float32) * (1.0 / np.sqrt(HIDDEN))
    b2 = jax.random.normal(k6, (VOCAB,), dtype=jnp.float32) * 0.01
    return {"inputs": inputs, "emb": emb, "W1": W1, "b1": b1, "W2": W2, "b2": b2}

def reference(inputs, emb, W1, b1, W2, b2):
    # embedding lookup (gather) then flatten to a single row, as in .view((1, -1))
    embeds = jnp.take(emb, inputs, axis=0).reshape((1, -1))
    h = jax.nn.relu(embeds @ W1 + b1)
    out = h @ W2 + b2
    log_probs = jax.nn.log_softmax(out, axis=1)
    return log_probs

if __name__ == "__main__":
    import jax
    _d = setup_inputs()
    print(jax.jit(kernel)(*tuple(_d.values())))

</pallas_src>

<mosaic_0001>
#map = affine_map<(d0, d1) -> (0, 0)>
#map1 = affine_map<(d0, d1) -> (0)>
module attributes {stable_mosaic.version = 14 : i64} {
  func.func @k(%arg0: i32, %arg1: i32, %arg2: memref<100000x200xf32, #tpu.memory_space<hbm>>, %arg3: memref<2xi32, #tpu.memory_space<hbm>>, %arg4: memref<2x200xf32, #tpu.memory_space<hbm>>, %arg5: memref<16xi32, #tpu.memory_space<vmem>>, %arg6: memref<2x200xf32, #tpu.memory_space<vmem>>) attributes {dimension_semantics = [#tpu.dimension_semantics<core_parallel>, #tpu.dimension_semantics<subcore_parallel>], iteration_bounds = array<i64: 2, 16>, scalar_prefetch = 0 : i64, scratch_operands = 2 : i64, tpu.core_type = #tpu.core_type<sc_vector_subcore>, window_params = [{transform_indices = #map}, {transform_indices = #map1}, {transform_indices = #map}]} {
    %mul3A = arith.constant 2 : i32
    %mul3A_0 = arith.muli %arg1, %mul3A : i32
    %add3A = arith.addi %mul3A_0, %arg0 : i32
    %eq3A = arith.constant 0 : i32
    %eq3A_1 = arith.cmpi eq, %add3A, %eq3A : i32
    %convert_element_type3A = arith.extui %eq3A_1 : i1 to i32
    %cond3A = arith.constant 0 : i32
    %cond3A_2 = arith.cmpi ne, %convert_element_type3A, %cond3A : i32
    scf.if %cond3A_2 {
      "tpu.region"() ({
        %run_scoped3A = tpu.sem_alloc : memref<!tpu.dma_semaphore, #tpu.memory_space<semaphore_mem>>
        %dma_start3A = arith.constant 0 : i32
        %dma_start3A_7 = tpu.memref_slice %arg5[%dma_start3A] : memref<16xi32, #tpu.memory_space<vmem>> -> memref<2xi32, #tpu.memory_space<vmem>>
        %dma_start3A_8 = arith.constant 0 : i32
        %dma_start3A_9 = tpu.memref_slice %arg5[%dma_start3A_8] : memref<16xi32, #tpu.memory_space<vmem>> -> memref<2xi32, #tpu.memory_space<vmem>>
        tpu.enqueue_dma source(%arg3 : memref<2xi32, #tpu.memory_space<hbm>>) target(%dma_start3A_9 : memref<2xi32, #tpu.memory_space<vmem>>) target_semaphore(%run_scoped3A : memref<!tpu.dma_semaphore, #tpu.memory_space<semaphore_mem>>)
        %dma_wait3A = arith.constant 0 : i32
        %dma_wait3A_10 = tpu.memref_slice %arg5[%dma_wait3A] : memref<16xi32, #tpu.memory_space<vmem>> -> memref<2xi32, #tpu.memory_space<vmem>>
        %dma_wait3A_11 = arith.constant 0 : i32
        %dma_wait3A_12 = tpu.memref_slice %arg5[%dma_wait3A_11] : memref<16xi32, #tpu.memory_space<vmem>> -> memref<2xi32, #tpu.memory_space<vmem>>
        tpu.wait_dma2 semaphore(%run_scoped3A : memref<!tpu.dma_semaphore, #tpu.memory_space<semaphore_mem>>) src(%arg3 : memref<2xi32, #tpu.memory_space<hbm>>) dst(%dma_wait3A_12 : memref<2xi32, #tpu.memory_space<vmem>>)
        tpu.yield
      }) : () -> ()
      %get3A = arith.constant 0 : index
      %get3A_3 = tpu.vector_load %arg5[%get3A] {strides = array<i32>} : memref<16xi32, #tpu.memory_space<vmem>>, vector<16xi32>,
      %get3A_4 = vector.shape_cast %get3A_3 : vector<16xi32> to vector<16xi32>
      %slice3A = vector.extract_strided_slice %get3A_4 {offsets = [0], sizes = [1], strides = [1]} : vector<16xi32> to vector<1xi32>
      %squeeze3A = vector.extract %slice3A[0] : i32 from vector<1xi32>
      "tpu.region"() ({
        %run_scoped3A = tpu.sem_alloc : memref<!tpu.dma_semaphore, #tpu.memory_space<semaphore_mem>>
        %dma_start3A = arith.constant 0 : i32
        %dma_start3A_7 = arith.constant 0 : i32
        %dma_start3A_8 = tpu.memref_slice %arg6[%dma_start3A, %dma_start3A_7] : memref<2x200xf32, #tpu.memory_space<vmem>> -> memref<1x200xf32, #tpu.memory_space<vmem>>
        %dma_start3A_9 = arith.constant 0 : i32
        %dma_start3A_10 = tpu.memref_slice %arg2[%squeeze3A, %dma_start3A_9] : memref<100000x200xf32, #tpu.memory_space<hbm>> -> memref<1x200xf32, #tpu.memory_space<hbm>>
        %dma_start3A_11 = arith.constant 0 : i32
        %dma_start3A_12 = arith.constant 0 : i32
        %dma_start3A_13 = tpu.memref_slice %arg6[%dma_start3A_11, %dma_start3A_12] : memref<2x200xf32, #tpu.memory_space<vmem>> -> memref<1x200xf32, #tpu.memory_space<vmem>>
        %dma_start3A_14 = arith.constant 0 : i32
        %dma_start3A_15 = tpu.memref_slice %arg2[%squeeze3A, %dma_start3A_14] : memref<100000x200xf32, #tpu.memory_space<hbm>> -> memref<1x200xf32, #tpu.memory_space<hbm>>
        tpu.enqueue_dma source(%dma_start3A_15 : memref<1x200xf32, #tpu.memory_space<hbm>>) target(%dma_start3A_13 : memref<1x200xf32, #tpu.memory_space<vmem>>) target_semaphore(%run_scoped3A : memref<!tpu.dma_semaphore, #tpu.memory_space<semaphore_mem>>)
        %dma_wait3A = arith.constant 0 : i32
        %dma_wait3A_16 = arith.constant 0 : i32
        %dma_wait3A_17 = tpu.memref_slice %arg6[%dma_wait3A, %dma_wait3A_16] : memref<2x200xf32, #tpu.memory_space<vmem>> -> memref<1x200xf32, #tpu.memory_space<vmem>>
        %dma_wait3A_18 = arith.constant 0 : i32
        %dma_wait3A_19 = tpu.memref_slice %arg2[%squeeze3A, %dma_wait3A_18] : memref<100000x200xf32, #tpu.memory_space<hbm>> -> memref<1x200xf32, #tpu.memory_space<hbm>>
        %dma_wait3A_20 = arith.constant 0 : i32
        %dma_wait3A_21 = arith.constant 0 : i32
        %dma_wait3A_22 = tpu.memref_slice %arg6[%dma_wait3A_20, %dma_wait3A_21] : memref<2x200xf32, #tpu.memory_space<vmem>> -> memref<1x200xf32, #tpu.memory_space<vmem>>
        %dma_wait3A_23 = arith.constant 0 : i32
        %dma_wait3A_24 = tpu.memref_slice %arg2[%squeeze3A, %dma_wait3A_23] : memref<100000x200xf32, #tpu.memory_space<hbm>> -> memref<1x200xf32, #tpu.memory_space<hbm>>
        tpu.wait_dma2 semaphore(%run_scoped3A : memref<!tpu.dma_semaphore, #tpu.memory_space<semaphore_mem>>) src(%dma_wait3A_24 : memref<1x200xf32, #tpu.memory_space<hbm>>) dst(%dma_wait3A_22 : memref<1x200xf32, #tpu.memory_space<vmem>>)
        tpu.yield
      }) : () -> ()
      %slice3A_5 = vector.extract_strided_slice %get3A_4 {offsets = [1], sizes = [1], strides = [1]} : vector<16xi32> to vector<1xi32>
      %squeeze3A_6 = vector.extract %slice3A_5[0] : i32 from vector<1xi32>
      "tpu.region"() ({
        %run_scoped3A = tpu.sem_alloc : memref<!tpu.dma_semaphore, #tpu.memory_space<semaphore_mem>>
        %dma_start3A = arith.constant 1 : i32
        %dma_start3A_7 = arith.constant 0 : i32
        %dma_start3A_8 = tpu.memref_slice %arg6[%dma_start3A, %dma_start3A_7] : memref<2x200xf32, #tpu.memory_space<vmem>> -> memref<1x200xf32, #tpu.memory_space<vmem>>
        %dma_start3A_9 = arith.constant 0 : i32
        %dma_start3A_10 = tpu.memref_slice %arg2[%squeeze3A_6, %dma_start3A_9] : memref<100000x200xf32, #tpu.memory_space<hbm>> -> memref<1x200xf32, #tpu.memory_space<hbm>>
        %dma_start3A_11 = arith.constant 1 : i32
        %dma_start3A_12 = arith.constant 0 : i32
        %dma_start3A_13 = tpu.memref_slice %arg6[%dma_start3A_11, %dma_start3A_12] : memref<2x200xf32, #tpu.memory_space<vmem>> -> memref<1x200xf32, #tpu.memory_space<vmem>>
        %dma_start3A_14 = arith.constant 0 : i32
        %dma_start3A_15 = tpu.memref_slice %arg2[%squeeze3A_6, %dma_start3A_14] : memref<100000x200xf32, #tpu.memory_space<hbm>> -> memref<1x200xf32, #tpu.memory_space<hbm>>
        tpu.enqueue_dma source(%dma_start3A_15 : memref<1x200xf32, #tpu.memory_space<hbm>>) target(%dma_start3A_13 : memref<1x200xf32, #tpu.memory_space<vmem>>) target_semaphore(%run_scoped3A : memref<!tpu.dma_semaphore, #tpu.memory_space<semaphore_mem>>)
        %dma_wait3A = arith.constant 1 : i32
        %dma_wait3A_16 = arith.constant 0 : i32
        %dma_wait3A_17 = tpu.memref_slice %arg6[%dma_wait3A, %dma_wait3A_16] : memref<2x200xf32, #tpu.memory_space<vmem>> -> memref<1x200xf32, #tpu.memory_space<vmem>>
        %dma_wait3A_18 = arith.constant 0 : i32
        %dma_wait3A_19 = tpu.memref_slice %arg2[%squeeze3A_6, %dma_wait3A_18] : memref<100000x200xf32, #tpu.memory_space<hbm>> -> memref<1x200xf32, #tpu.memory_space<hbm>>
        %dma_wait3A_20 = arith.constant 1 : i32
        %dma_wait3A_21 = arith.constant 0 : i32
        %dma_wait3A_22 = tpu.memref_slice %arg6[%dma_wait3A_20, %dma_wait3A_21] : memref<2x200xf32, #tpu.memory_space<vmem>> -> memref<1x200xf32, #tpu.memory_space<vmem>>
        %dma_wait3A_23 = arith.constant 0 : i32
        %dma_wait3A_24 = tpu.memref_slice %arg2[%squeeze3A_6, %dma_wait3A_23] : memref<100000x200xf32, #tpu.memory_space<hbm>> -> memref<1x200xf32, #tpu.memory_space<hbm>>
        tpu.wait_dma2 semaphore(%run_scoped3A : memref<!tpu.dma_semaphore, #tpu.memory_space<semaphore_mem>>) src(%dma_wait3A_24 : memref<1x200xf32, #tpu.memory_space<hbm>>) dst(%dma_wait3A_22 : memref<1x200xf32, #tpu.memory_space<vmem>>)
        tpu.yield
      }) : () -> ()
      "tpu.region"() ({
        %run_scoped3A = tpu.sem_alloc : memref<!tpu.dma_semaphore, #tpu.memory_space<semaphore_mem>>
        tpu.enqueue_dma source(%arg6 : memref<2x200xf32, #tpu.memory_space<vmem>>) target(%arg4 : memref<2x200xf32, #tpu.memory_space<hbm>>) target_semaphore(%run_scoped3A : memref<!tpu.dma_semaphore, #tpu.memory_space<semaphore_mem>>)
        tpu.wait_dma2 semaphore(%run_scoped3A : memref<!tpu.dma_semaphore, #tpu.memory_space<semaphore_mem>>) src(%arg6 : memref<2x200xf32, #tpu.memory_space<vmem>>) dst(%arg4 : memref<2x200xf32, #tpu.memory_space<hbm>>)
        tpu.yield
      }) : () -> ()
    } else {
    }
    return
  }
}

module attributes {stable_mosaic.version = 14 : i64} {
  func.func @_k1_body(%arg0: i32, %arg1: memref<1x400xf32, #tpu.memory_space<vmem>>, %arg2: memref<400x128xf32, #tpu.memory_space<vmem>>, %arg3: memref<1x128xf32, #tpu.memory_space<vmem>>, %arg4: memref<128x4096xf32, #tpu.memory_space<vmem>>, %arg5: memref<128x4096xf32, #tpu.memory_space<vmem>>, %arg6: memref<128x4096xf32, #tpu.memory_space<vmem>>, %arg7: memref<128x4096xf32, #tpu.memory_space<vmem>>, %arg8: memref<1x4096xf32, #tpu.memory_space<vmem>>, %arg9: memref<1x4096xf32, #tpu.memory_space<vmem>>, %arg10: memref<1x4096xf32, #tpu.memory_space<vmem>>, %arg11: memref<1x4096xf32, #tpu.memory_space<vmem>>, %arg12: memref<1x100000xf32, #tpu.memory_space<vmem>>, %arg13: memref<1x128xf32, #tpu.memory_space<vmem>>) attributes {dimension_semantics = [#tpu.dimension_semantics<arbitrary>], iteration_bounds = array<i64: 7>, scalar_prefetch = 0 : i64, scratch_operands = 1 : i64, tpu.core_type = #tpu.core_type<tc>, window_params = [{pipeline_mode = #tpu.pipeline_mode<synchronous>, transform_indices = @transform_0, window_bounds = array<i64: 1, 400>}, {pipeline_mode = #tpu.pipeline_mode<synchronous>, transform_indices = @transform_1, window_bounds = array<i64: 400, 128>}, {pipeline_mode = #tpu.pipeline_mode<synchronous>, transform_indices = @transform_2, window_bounds = array<i64: 1, 128>}, {transform_indices = @transform_3, window_bounds = array<i64: 128, 4096>}, {transform_indices = @transform_4, window_bounds = array<i64: 128, 4096>}, {transform_indices = @transform_5, window_bounds = array<i64: 128, 4096>}, {transform_indices = @transform_6, window_bounds = array<i64: 128, 4096>}, {transform_indices = @transform_7, window_bounds = array<i64: 1, 4096>}, {transform_indices = @transform_8, window_bounds = array<i64: 1, 4096>}, {transform_indices = @transform_9, window_bounds = array<i64: 1, 4096>}, {transform_indices = @transform_10, window_bounds = array<i64: 1, 4096>}, {pipeline_mode = #tpu.pipeline_mode<synchronous>, transform_indices = @transform_11, window_bounds = array<i64: 1, 100000>}]} {
    %eq3A = arith.constant 0 : i32
    %eq3A_0 = arith.cmpi eq, %arg0, %eq3A : i32
    %convert_element_type3A = arith.extui %eq3A_0 : i1 to i32
    %cond3A = arith.constant 0 : i32
    %cond3A_1 = arith.cmpi ne, %convert_element_type3A, %cond3A : i32
    scf.if %cond3A_1 {
      %get3A_107 = arith.constant 0 : index
      %get3A_108 = arith.constant 0 : index
      %get3A_109 = vector.load %arg1[%get3A_107, %get3A_108] : memref<1x400xf32, #tpu.memory_space<vmem>>, vector<1x400xf32>
      %get3A_110 = arith.constant 0 : index
      %get3A_111 = arith.constant 0 : index
      %get3A_112 = vector.load %arg2[%get3A_110, %get3A_111] : memref<400x128xf32, #tpu.memory_space<vmem>>, vector<400x128xf32>
      %dot_general3A_113 = arith.constant dense<0.000000e+00> : vector<1x128xf32>
      %dot_general3A_114 = tpu.matmul %get3A_109, %get3A_112, %dot_general3A_113 {dimension_numbers = #tpu.dot_dimension_numbers<[1], [0], [0], [1], [0, 0, 1, 1], [], []>, transpose_lhs_hint = false} : vector<1x400xf32>, vector<400x128xf32>, vector<1x128xf32> -> vector<1x128xf32>
      %get3A_115 = arith.constant 0 : index
      %get3A_116 = arith.constant 0 : index
      %get3A_117 = vector.load %arg3[%get3A_115, %get3A_116] : memref<1x128xf32, #tpu.memory_space<vmem>>, vector<1x128xf32>
      %add3A_118 = arith.addf %dot_general3A_114, %get3A_117 : vector<1x128xf32>
      %max3A = arith.constant 0.000000e+00 : f32
      %max3A_119 = vector.broadcast %max3A : f32 to vector<1x128xf32>
      %max3A_120 = arith.maximumf %add3A_118, %max3A_119 : vector<1x128xf32>
      %swap3A = arith.constant 0 : index
      %swap3A_121 = arith.constant 0 : index
      %swap3A_122 = vector.load %arg13[%swap3A, %swap3A_121] : memref<1x128xf32, #tpu.memory_space<vmem>>, vector<1x128xf32>
      tpu.vector_store %arg13[%swap3A, %swap3A_121], %max3A_120 {strides = array<i32>} : memref<1x128xf32, #tpu.memory_space<vmem>>, vector<1x128xf32>,
    } else {
    }
    %get3A = arith.constant 0 : index
    %get3A_2 = arith.constant 0 : index
    %get3A_3 = vector.load %arg13[%get3A, %get3A_2] : memref<1x128xf32, #tpu.memory_space<vmem>>, vector<1x128xf32>
    %get3A_4 = arith.constant 0 : index
    %get3A_5 = arith.constant 0 : index
    %get3A_6 = vector.load %arg4[%get3A_4, %get3A_5] : memref<128x4096xf32, #tpu.memory_space<vmem>>, vector<128x4096xf32>
    %dot_general3A = arith.constant dense<0.000000e+00> : vector<1x4096xf32>
    %dot_general3A_7 = tpu.matmul %get3A_3, %get3A_6, %dot_general3A {dimension_numbers = #tpu.dot_dimension_numbers<[1], [0], [0], [1], [0, 0, 1, 1], [], []>, transpose_lhs_hint = false} : vector<1x128xf32>, vector<128x4096xf32>, vector<1x4096xf32> -> vector<1x4096xf32>
    %get3A_8 = arith.constant 0 : index
    %get3A_9 = arith.constant 0 : index
    %get3A_10 = vector.load %arg8[%get3A_8, %get3A_9] : memref<1x4096xf32, #tpu.memory_space<vmem>>, vector<1x4096xf32>
    %add3A = arith.addf %dot_general3A_7, %get3A_10 : vector<1x4096xf32>
    %mul3A = arith.constant 4 : i32
    %mul3A_11 = arith.muli %arg0, %mul3A : i32
    %add3A_12 = arith.constant 0 : i32
    %add3A_13 = arith.addi %mul3A_11, %add3A_12 : i32
    %mul3A_14 = arith.constant 4096 : i32
    %mul3A_15 = arith.muli %add3A_13, %mul3A_14 : i32
    %add3A_16 = arith.constant 4096 : i32
    %add3A_17 = arith.addi %mul3A_15, %add3A_16 : i32
    %le3A = arith.constant 100000 : i32
    %le3A_18 = arith.cmpi sle, %add3A_17, %le3A : i32
    %convert_element_type3A_19 = arith.extui %le3A_18 : i1 to i32
    %cond3A_20 = arith.constant 0 : i32
    %cond3A_21 = arith.cmpi ne, %convert_element_type3A_19, %cond3A_20 : i32
    scf.if %cond3A_21 {
      %mul3A_107 = arith.constant 4096 : i32
      %mul3A_108 = arith.muli %add3A_13, %mul3A_107 : i32
      %swap3A = arith.constant 0 : index
      %swap3A_109 = arith.index_cast %mul3A_108 : i32 to index
      %swap3A_110 = vector.load %arg12[%swap3A, %swap3A_109] : memref<1x100000xf32, #tpu.memory_space<vmem>>, vector<1x4096xf32>
      tpu.vector_store %arg12[%swap3A, %swap3A_109], %add3A {strides = array<i32>} : memref<1x100000xf32, #tpu.memory_space<vmem>>, vector<1x4096xf32>,
    } else {
    }
    %eq3A_22 = arith.constant 24 : i32
    %eq3A_23 = arith.cmpi eq, %add3A_13, %eq3A_22 : i32
    %convert_element_type3A_24 = arith.extui %eq3A_23 : i1 to i32
    %cond3A_25 = arith.constant 0 : i32
    %cond3A_26 = arith.cmpi ne, %convert_element_type3A_24, %cond3A_25 : i32
    scf.if %cond3A_26 {
      %slice3A = vector.extract_strided_slice %add3A {offsets = [0, 0], sizes = [1, 1696], strides = [1, 1]} : vector<1x4096xf32> to vector<1x1696xf32>
      %swap3A = arith.constant 0 : index
      %swap3A_107 = arith.constant 98304 : index
      %swap3A_108 = vector.load %arg12[%swap3A, %swap3A_107] : memref<1x100000xf32, #tpu.memory_space<vmem>>, vector<1x1696xf32>
      tpu.vector_store %arg12[%swap3A, %swap3A_107], %slice3A {strides = array<i32>} : memref<1x100000xf32, #tpu.memory_space<vmem>>, vector<1x1696xf32>,
    } else {
    }
    %get3A_27 = arith.constant 0 : index
    %get3A_28 = arith.constant 0 : index
    %get3A_29 = vector.load %arg13[%get3A_27, %get3A_28] : memref<1x128xf32, #tpu.memory_space<vmem>>, vector<1x128xf32>
    %get3A_30 = arith.constant 0 : index
    %get3A_31 = arith.constant 0 : index
    %get3A_32 = vector.load %arg5[%get3A_30, %get3A_31] : memref<128x4096xf32, #tpu.memory_space<vmem>>, vector<128x4096xf32>
    %dot_general3A_33 = arith.constant dense<0.000000e+00> : vector<1x4096xf32>
    %dot_general3A_34 = tpu.matmul %get3A_29, %get3A_32, %dot_general3A_33 {dimension_numbers = #tpu.dot_dimension_numbers<[1], [0], [0], [1], [0, 0, 1, 1], [], []>, transpose_lhs_hint = false} : vector<1x128xf32>, vector<128x4096xf32>, vector<1x4096xf32> -> vector<1x4096xf32>
    %get3A_35 = arith.constant 0 : index
    %get3A_36 = arith.constant 0 : index
    %get3A_37 = vector.load %arg9[%get3A_35, %get3A_36] : memref<1x4096xf32, #tpu.memory_space<vmem>>, vector<1x4096xf32>
    %add3A_38 = arith.addf %dot_general3A_34, %get3A_37 : vector<1x4096xf32>
    %mul3A_39 = arith.constant 4 : i32
    %mul3A_40 = arith.muli %arg0, %mul3A_39 : i32
    %add3A_41 = arith.constant 1 : i32
    %add3A_42 = arith.addi %mul3A_40, %add3A_41 : i32
    %mul3A_43 = arith.constant 4096 : i32
    %mul3A_44 = arith.muli %add3A_42, %mul3A_43 : i32
    %add3A_45 = arith.constant 4096 : i32
    %add3A_46 = arith.addi %mul3A_44, %add3A_45 : i32
    %le3A_47 = arith.constant 100000 : i32
    %le3A_48 = arith.cmpi sle, %add3A_46, %le3A_47 : i32
    %convert_element_type3A_49 = arith.extui %le3A_48 : i1 to i32
    %cond3A_50 = arith.constant 0 : i32
    %cond3A_51 = arith.cmpi ne, %convert_element_type3A_49, %cond3A_50 : i32
    scf.if %cond3A_51 {
      %mul3A_107 = arith.constant 4096 : i32
      %mul3A_108 = arith.muli %add3A_42, %mul3A_107 : i32
      %swap3A = arith.constant 0 : index
      %swap3A_109 = arith.index_cast %mul3A_108 : i32 to index
      %swap3A_110 = vector.load %arg12[%swap3A, %swap3A_109] : memref<1x100000xf32, #tpu.memory_space<vmem>>, vector<1x4096xf32>
      tpu.vector_store %arg12[%swap3A, %swap3A_109], %add3A_38 {strides = array<i32>} : memref<1x100000xf32, #tpu.memory_space<vmem>>, vector<1x4096xf32>,
    } else {
    }
    %get3A_52 = arith.constant 0 : index
    %get3A_53 = arith.constant 0 : index
    %get3A_54 = vector.load %arg13[%get3A_52, %get3A_53] : memref<1x128xf32, #tpu.memory_space<vmem>>, vector<1x128xf32>
    %get3A_55 = arith.constant 0 : index
    %get3A_56 = arith.constant 0 : index
    %get3A_57 = vector.load %arg6[%get3A_55, %get3A_56] : memref<128x4096xf32, #tpu.memory_space<vmem>>, vector<128x4096xf32>
    %dot_general3A_58 = arith.constant dense<0.000000e+00> : vector<1x4096xf32>
    %dot_general3A_59 = tpu.matmul %get3A_54, %get3A_57, %dot_general3A_58 {dimension_numbers = #tpu.dot_dimension_numbers<[1], [0], [0], [1], [0, 0, 1, 1], [], []>, transpose_lhs_hint = false} : vector<1x128xf32>, vector<128x4096xf32>, vector<1x4096xf32> -> vector<1x4096xf32>
    %get3A_60 = arith.constant 0 : index
    %get3A_61 = arith.constant 0 : index
    %get3A_62 = vector.load %arg10[%get3A_60, %get3A_61] : memref<1x4096xf32, #tpu.memory_space<vmem>>, vector<1x4096xf32>
    %add3A_63 = arith.addf %dot_general3A_59, %get3A_62 : vector<1x4096xf32>
    %mul3A_64 = arith.constant 4 : i32
    %mul3A_65 = arith.muli %arg0, %mul3A_64 : i32
    %add3A_66 = arith.constant 2 : i32
    %add3A_67 = arith.addi %mul3A_65, %add3A_66 : i32
    %mul3A_68 = arith.constant 4096 : i32
    %mul3A_69 = arith.muli %add3A_67, %mul3A_68 : i32
    %add3A_70 = arith.constant 4096 : i32
    %add3A_71 = arith.addi %mul3A_69, %add3A_70 : i32
    %le3A_72 = arith.constant 100000 : i32
    %le3A_73 = arith.cmpi sle, %add3A_71, %le3A_72 : i32
    %convert_element_type3A_74 = arith.extui %le3A_73 : i1 to i32
    %cond3A_75 = arith.constant 0 : i32
    %cond3A_76 = arith.cmpi ne, %convert_element_type3A_74, %cond3A_75 : i32
    scf.if %cond3A_76 {
      %mul3A_107 = arith.constant 4096 : i32
      %mul3A_108 = arith.muli %add3A_67, %mul3A_107 : i32
      %swap3A = arith.constant 0 : index
      %swap3A_109 = arith.index_cast %mul3A_108 : i32 to index
      %swap3A_110 = vector.load %arg12[%swap3A, %swap3A_109] : memref<1x100000xf32, #tpu.memory_space<vmem>>, vector<1x4096xf32>
      tpu.vector_store %arg12[%swap3A, %swap3A_109], %add3A_63 {strides = array<i32>} : memref<1x100000xf32, #tpu.memory_space<vmem>>, vector<1x4096xf32>,
    } else {
    }
    %get3A_77 = arith.constant 0 : index
    %get3A_78 = arith.constant 0 : index
    %get3A_79 = vector.load %arg13[%get3A_77, %get3A_78] : memref<1x128xf32, #tpu.memory_space<vmem>>, vector<1x128xf32>
    %get3A_80 = arith.constant 0 : index
    %get3A_81 = arith.constant 0 : index
    %get3A_82 = vector.load %arg7[%get3A_80, %get3A_81] : memref<128x4096xf32, #tpu.memory_space<vmem>>, vector<128x4096xf32>
    %dot_general3A_83 = arith.constant dense<0.000000e+00> : vector<1x4096xf32>
    %dot_general3A_84 = tpu.matmul %get3A_79, %get3A_82, %dot_general3A_83 {dimension_numbers = #tpu.dot_dimension_numbers<[1], [0], [0], [1], [0, 0, 1, 1], [], []>, transpose_lhs_hint = false} : vector<1x128xf32>, vector<128x4096xf32>, vector<1x4096xf32> -> vector<1x4096xf32>
    %get3A_85 = arith.constant 0 : index
    %get3A_86 = arith.constant 0 : index
    %get3A_87 = vector.load %arg11[%get3A_85, %get3A_86] : memref<1x4096xf32, #tpu.memory_space<vmem>>, vector<1x4096xf32>
    %add3A_88 = arith.addf %dot_general3A_84, %get3A_87 : vector<1x4096xf32>
    %mul3A_89 = arith.constant 4 : i32
    %mul3A_90 = arith.muli %arg0, %mul3A_89 : i32
    %add3A_91 = arith.constant 3 : i32
    %add3A_92 = arith.addi %mul3A_90, %add3A_91 : i32
    %mul3A_93 = arith.constant 4096 : i32
    %mul3A_94 = arith.muli %add3A_92, %mul3A_93 : i32
    %add3A_95 = arith.constant 4096 : i32
    %add3A_96 = arith.addi %mul3A_94, %add3A_95 : i32
    %le3A_97 = arith.constant 100000 : i32
    %le3A_98 = arith.cmpi sle, %add3A_96, %le3A_97 : i32
    %convert_element_type3A_99 = arith.extui %le3A_98 : i1 to i32
    %cond3A_100 = arith.constant 0 : i32
    %cond3A_101 = arith.cmpi ne, %convert_element_type3A_99, %cond3A_100 : i32
    scf.if %cond3A_101 {
      %mul3A_107 = arith.constant 4096 : i32
      %mul3A_108 = arith.muli %add3A_92, %mul3A_107 : i32
      %swap3A = arith.constant 0 : index
      %swap3A_109 = arith.index_cast %mul3A_108 : i32 to index
      %swap3A_110 = vector.load %arg12[%swap3A, %swap3A_109] : memref<1x100000xf32, #tpu.memory_space<vmem>>, vector<1x4096xf32>
      tpu.vector_store %arg12[%swap3A, %swap3A_109], %add3A_88 {strides = array<i32>} : memref<1x100000xf32, #tpu.memory_space<vmem>>, vector<1x4096xf32>,
    } else {
    }
    %eq3A_102 = arith.constant 6 : i32
    %eq3A_103 = arith.cmpi eq, %arg0, %eq3A_102 : i32
    %convert_element_type3A_104 = arith.extui %eq3A_103 : i1 to i32
    %cond3A_105 = arith.constant 0 : i32
    %cond3A_106 = arith.cmpi ne, %convert_element_type3A_104, %cond3A_105 : i32
    scf.if %cond3A_106 {
      %get3A_107 = arith.constant 0 : index
      %get3A_108 = arith.constant 0 : index
      %get3A_109 = vector.load %arg12[%get3A_107, %get3A_108] : memref<1x100000xf32, #tpu.memory_space<vmem>>, vector<1x100000xf32>
      %reduce_max3A = vector.shape_cast %get3A_109 : vector<1x100000xf32> to vector<1x1x100000xf32>
      %reduce_max3A_110 = arith.constant dense<0xFF800000> : vector<1xf32>
      %reduce_max3A_111 = vector.multi_reduction <maximumf>, %reduce_max3A, %reduce_max3A_110 [1, 2] : vector<1x1x100000xf32> to vector<1xf32>
      %reduce_max3A_112 = vector.shape_cast %reduce_max3A_111 : vector<1xf32> to vector<1x1x1xf32>
      %reduce_max3A_113 = vector.extract %reduce_max3A_112[0, 0, 0] : f32 from vector<1x1x1xf32>
      %sub3A = vector.broadcast %reduce_max3A_113 : f32 to vector<1x100000xf32>
      %sub3A_114 = arith.subf %get3A_109, %sub3A : vector<1x100000xf32>
      %exp3A = math.exp %sub3A_114 : vector<1x100000xf32>
      %reduce_sum3A = vector.shape_cast %exp3A : vector<1x100000xf32> to vector<1x1x100000xf32>
      %reduce_sum3A_115 = arith.constant dense<0.000000e+00> : vector<1xf32>
      %reduce_sum3A_116 = vector.multi_reduction <add>, %reduce_sum3A, %reduce_sum3A_115 [1, 2] : vector<1x1x100000xf32> to vector<1xf32>
      %reduce_sum3A_117 = vector.shape_cast %reduce_sum3A_116 : vector<1xf32> to vector<1x1x1xf32>
      %reduce_sum3A_118 = vector.extract %reduce_sum3A_117[0, 0, 0] : f32 from vector<1x1x1xf32>
      %log3A = math.log %reduce_sum3A_118 : f32
      %add3A_119 = arith.addf %reduce_max3A_113, %log3A : f32
      %sub3A_120 = vector.broadcast %add3A_119 : f32 to vector<1x100000xf32>
      %sub3A_121 = arith.subf %get3A_109, %sub3A_120 : vector<1x100000xf32>
      %swap3A = arith.constant 0 : index
      %swap3A_122 = arith.constant 0 : index
      %swap3A_123 = vector.load %arg12[%swap3A, %swap3A_122] : memref<1x100000xf32, #tpu.memory_space<vmem>>, vector<1x100000xf32>
      tpu.vector_store %arg12[%swap3A, %swap3A_122], %sub3A_121 {strides = array<i32>} : memref<1x100000xf32, #tpu.memory_space<vmem>>, vector<1x100000xf32>,
    } else {
    }
    return
  }
  func.func @transform_0(%arg0: i32) -> (i32, i32) {
    %c0_i32 = arith.constant 0 : i32
    %c0_i32_0 = arith.constant 0 : i32
    %c0_i32_1 = arith.constant 0 : i32
    return %c0_i32, %c0_i32_0 : i32, i32
  }
  func.func @transform_1(%arg0: i32) -> (i32, i32) {
    %c0_i32 = arith.constant 0 : i32
    %c0_i32_0 = arith.constant 0 : i32
    %c0_i32_1 = arith.constant 0 : i32
    return %c0_i32, %c0_i32_0 : i32, i32
  }
  func.func @transform_2(%arg0: i32) -> (i32, i32) {
    %c0_i32 = arith.constant 0 : i32
    %c0_i32_0 = arith.constant 0 : i32
    %c0_i32_1 = arith.constant 0 : i32
    return %c0_i32, %c0_i32_0 : i32, i32
  }
  func.func @transform_3(%arg0: i32) -> (i32, i32) {
    %mul3A = arith.constant 4 : i32
    %mul3A_0 = arith.muli %arg0, %mul3A : i32
    %add3A = arith.constant 0 : i32
    %add3A_1 = arith.addi %mul3A_0, %add3A : i32
    %min3A = arith.constant 24 : i32
    %min3A_2 = arith.minsi %add3A_1, %min3A : i32
    %c0_i32 = arith.constant 0 : i32
    %c0_i32_3 = arith.constant 0 : i32
    return %c0_i32, %min3A_2 : i32, i32
  }
  func.func @transform_4(%arg0: i32) -> (i32, i32) {
    %mul3A = arith.constant 4 : i32
    %mul3A_0 = arith.muli %arg0, %mul3A : i32
    %add3A = arith.constant 1 : i32
    %add3A_1 = arith.addi %mul3A_0, %add3A : i32
    %min3A = arith.constant 24 : i32
    %min3A_2 = arith.minsi %add3A_1, %min3A : i32
    %c0_i32 = arith.constant 0 : i32
    %c0_i32_3 = arith.constant 0 : i32
    return %c0_i32, %min3A_2 : i32, i32
  }
  func.func @transform_5(%arg0: i32) -> (i32, i32) {
    %mul3A = arith.constant 4 : i32
    %mul3A_0 = arith.muli %arg0, %mul3A : i32
    %add3A = arith.constant 2 : i32
    %add3A_1 = arith.addi %mul3A_0, %add3A : i32
    %min3A = arith.constant 24 : i32
    %min3A_2 = arith.minsi %add3A_1, %min3A : i32
    %c0_i32 = arith.constant 0 : i32
    %c0_i32_3 = arith.constant 0 : i32
    return %c0_i32, %min3A_2 : i32, i32
  }
  func.func @transform_6(%arg0: i32) -> (i32, i32) {
    %mul3A = arith.constant 4 : i32
    %mul3A_0 = arith.muli %arg0, %mul3A : i32
    %add3A = arith.constant 3 : i32
    %add3A_1 = arith.addi %mul3A_0, %add3A : i32
    %min3A = arith.constant 24 : i32
    %min3A_2 = arith.minsi %add3A_1, %min3A : i32
    %c0_i32 = arith.constant 0 : i32
    %c0_i32_3 = arith.constant 0 : i32
    return %c0_i32, %min3A_2 : i32, i32
  }
  func.func @transform_7(%arg0: i32) -> (i32, i32) {
    %mul3A = arith.constant 4 : i32
    %mul3A_0 = arith.muli %arg0, %mul3A : i32
    %add3A = arith.constant 0 : i32
    %add3A_1 = arith.addi %mul3A_0, %add3A : i32
    %min3A = arith.constant 24 : i32
    %min3A_2 = arith.minsi %add3A_1, %min3A : i32
    %c0_i32 = arith.constant 0 : i32
    %c0_i32_3 = arith.constant 0 : i32
    return %c0_i32, %min3A_2 : i32, i32
  }
  func.func @transform_8(%arg0: i32) -> (i32, i32) {
    %mul3A = arith.constant 4 : i32
    %mul3A_0 = arith.muli %arg0, %mul3A : i32
    %add3A = arith.constant 1 : i32
    %add3A_1 = arith.addi %mul3A_0, %add3A : i32
    %min3A = arith.constant 24 : i32
    %min3A_2 = arith.minsi %add3A_1, %min3A : i32
    %c0_i32 = arith.constant 0 : i32
    %c0_i32_3 = arith.constant 0 : i32
    return %c0_i32, %min3A_2 : i32, i32
  }
  func.func @transform_9(%arg0: i32) -> (i32, i32) {
    %mul3A = arith.constant 4 : i32
    %mul3A_0 = arith.muli %arg0, %mul3A : i32
    %add3A = arith.constant 2 : i32
    %add3A_1 = arith.addi %mul3A_0, %add3A : i32
    %min3A = arith.constant 24 : i32
    %min3A_2 = arith.minsi %add3A_1, %min3A : i32
    %c0_i32 = arith.constant 0 : i32
    %c0_i32_3 = arith.constant 0 : i32
    return %c0_i32, %min3A_2 : i32, i32
  }
  func.func @transform_10(%arg0: i32) -> (i32, i32) {
    %mul3A = arith.constant 4 : i32
    %mul3A_0 = arith.muli %arg0, %mul3A : i32
    %add3A = arith.constant 3 : i32
    %add3A_1 = arith.addi %mul3A_0, %add3A : i32
    %min3A = arith.constant 24 : i32
    %min3A_2 = arith.minsi %add3A_1, %min3A : i32
    %c0_i32 = arith.constant 0 : i32
    %c0_i32_3 = arith.constant 0 : i32
    return %c0_i32, %min3A_2 : i32, i32
  }
  func.func @transform_11(%arg0: i32) -> (i32, i32) {
    %c0_i32 = arith.constant 0 : i32
    %c0_i32_0 = arith.constant 0 : i32
    %c0_i32_1 = arith.constant 0 : i32
    return %c0_i32, %c0_i32_0 : i32, i32
  }
}

</mosaic_0001>

<sc_bundles>
// kernel: kernel.4.cloned.1.call-start
scs
__scs_entry_jumppad:
0x0: {  	(pc) =	sbr.rel $0x88, $3  }
0x1: {  	(tag) =	ssettag $0x0;
	lr =	simm.s32 $0x1  }
0x2: {  	[smem:$0x3F9B] =	sst lr;
	_ =	strace $0xD0000000  }
0x3: {  	_ = 	snop  }
0x4: {  	_ = 	snop  }
0x5: {  	_ = 	snop  }
0x6: {  	_ = 	snop  }
0x7: {  	_ = 	snop  }
__scs_overlays_trampoline_lowered:
0x8: {  	[smem:$0x3FAA] =	sst s0  }
0x9: {  	[smem:$0x3FAB] =	sst s1  }
0xa: {  	[smem:$0x3FAC] =	sst s2  }
0xb: {  	[smem:$0x3FAD] =	sst s3  }
0xc: {  	[smem:$0x3FAE] =	sst s4  }
0xd: {  	[smem:$0x3FAF] =	sst s5  }
0xe: {  	[smem:$0x3FB0] =	sst s6  }
0xf: {  	[smem:$0x3FB1] =	sst s7  }
0x10: {  	[smem:$0x3FB2] =	sst s8  }
0x11: {  	[smem:$0x3FB3] =	sst s9;
	s0 =	simm.s32 @!p0 $0x0  }
0x12: {  	s1 =	sld [smem:$0x3F99];
	s0 =	simm.s32 @p0 $0x1  }
0x13: {  	[smem:$0x3FB4] =	sst s0;
	s0 =	simm.s32 @!p1 $0x0  }
0x14: {  	s2 =	sld [smem:$0x3F98];
	s0 =	simm.s32 @p1 $0x1  }
0x15: {  	[smem:$0x3FB5] =	sst s0;
	s0 =	simm.s32 @!p2 $0x0  }
0x16: {  	s3 =	sld [smem:$0x3FDB];
	s0 =	simm.s32 @p2 $0x1  }
0x17: {  	s4 =	simm.s32 $0x1BF5;
	[smem:$0x3FB7] =	sst s0  }
0x18: {  	s0 =	sld [smem:$0x3F9A];
	_ =	swait.ge [sflag:s4], $0x0  }
0x19: {  	s7 =	sld [smem:$0x3F9B]  }
0x1a: {  	s8 =	sadd.s32 $0xFFFFE003, lr  }
0x1b: {  	s9 =	sadd.s32 $0xFFFFFEF7, lr;
	s5 =	simm.s32 $0xFFFFFFFF;
	p2 =	slt.u32 s8, $0xFFFFF086  }
0x1c: {  	p1 =	slt.u32 s9, $0xF7A;
	s5 =	simm.s32 @!p2 $0x0  }
0x1d: {  	s5 =	simm.s32 @p1 $0x1;
	p0 =	seq.s32 s7, s2  }
0x1e: {  	s7 =	smul.u32 @!p0 $0xF7A, s2;
	p2 =	seq.s32 @!p0 s5, $0x0  }
0x1f: {  	s9 =	smul.u32 $0xF7A, s1;
	s8 =	simm.s32 @!p0 $0x1BF5;
	p2 =	por !p2, p0  }
0x20: {  	[sflag:s8] =	ssyncset.s32 @!p0 $0xFFFFF086;
	s6 =	sadd.s32 @!p0 s3, s7;
	s7 =	simm.s32 @!p0 $0x108  }
0x21: {  	s3 =	sadd.s32 s3, s9;
	s6 =	sadd.s32 @!p0 $0x88, s6;
	s7 =	simm.s32 @p2 $0x1082  }
0x22: {  	[simem:s7], [sflag:s8] =	dma.local @!p0 [hbm:s6], $0xF7A  }
0x23: {  	s9 =	sor.u32 $0xD0000000, s2;
	s6 =	simm.s32 $0x108;
	_ =	swait.ge @!p0 [sflag:s8], $0x0  }
0x24: {  	s3 =	sadd.s32 $0x88, s3;
	s6 =	simm.s32 @!p1 $0x1082;
	[sflag:s4] =	ssyncset.s32 $0xFFFFF086  }
0x25: {  	[simem:s6], [sflag:s4] =	dma.local [hbm:s3], $0xF7A  }
0x26: {  	[smem:$0x3F9B] =	sst s1;
	(tag) =	ssettag s2;
	_ =	strace s9  }
0x27: {  	s1 =	sld [smem:$0x3FAB]  }
0x28: {  	s2 =	sld [smem:$0x3FAC]  }
0x29: {  	s4 =	sld [smem:$0x3FAE]  }
0x2a: {  	p0 =	seq.s32 s5, $0x0;
	s5 =	sld [smem:$0x3FAF]  }
0x2b: {  	s6 =	sld [smem:$0x3FB0]  }
0x2c: {  	s7 =	sld [smem:$0x3FB1]  }
0x2d: {  	s3 =	simm.s32 $0x108;
	s8 =	sld [smem:$0x3FB2]  }
0x2e: {  	s3 =	simm.s32 @!p0 $0x1082;
	s9 =	sld [smem:$0x3FB3]  }
0x2f: {  	lr =	sadd.s32 s0, s3;
	s0 =	sld [smem:$0x3FAA]  }
0x30: {  	s3 =	sld [smem:$0x3FAD]  }
0x31: {  	[smem:$0x3FB6] =	sst s10  }
0x32: {  	s10 =	sld [smem:$0x3FB4];
	_ =	sdelay $0x3  }
0x33: {  	p0 =	seq.s32 s10, $0x1;
	s10 =	sld [smem:$0x3FB6];
	_ =	sdelay $0x3  }
0x34: {  	[smem:$0x3FB6] =	sst s10  }
0x35: {  	s10 =	sld [smem:$0x3FB5];
	_ =	sdelay $0x3  }
0x36: {  	p1 =	seq.s32 s10, $0x1;
	s10 =	sld [smem:$0x3FB6];
	_ =	sdelay $0x3  }
0x37: {  	[smem:$0x3FB6] =	sst s10  }
0x38: {  	s10 =	sld [smem:$0x3FB7]  }
0x39: {  	_ = 	snop;
	(pc) =	sbr.ind lr, $3  }
0x3a: {  	_ = 	snop  }
0x3b: {  	_ = 	snop  }
0x3c: {  	p2 =	seq.s32 s10, $0x1;
	s10 =	sld [smem:$0x3FB6]  }
0x3d: {  	_ =	shalt  }
0x3e: {  	_ =	shalt  }
0x3f: {  	_ =	shalt  }
0x40: {  	_ =	shalt  }
0x41: {  	_ =	shalt  }
0x42: {  	_ =	shalt  }
0x43: {  	_ =	shalt  }
0x44: {  	_ =	shalt  }
0x45: {  	_ =	shalt  }
0x46: {  	_ =	shalt  }
0x47: {  	_ =	shalt  }
0x48: {  	_ =	shalt  }
0x49: {  	_ =	shalt  }
0x4a: {  	_ =	shalt  }
0x4b: {  	_ =	shalt  }
0x4c: {  	_ =	shalt  }
0x4d: {  	_ =	shalt  }
0x4e: {  	_ =	shalt  }
0x4f: {  	_ =	shalt  }
0x50: {  	_ =	shalt  }
0x51: {  	_ =	shalt  }
0x52: {  	_ =	shalt  }
0x53: {  	_ =	shalt  }
0x54: {  	_ =	shalt  }
0x55: {  	_ =	shalt  }
0x56: {  	_ =	shalt  }
0x57: {  	_ =	shalt  }
0x58: {  	_ =	shalt  }
0x59: {  	_ =	shalt  }
0x5a: {  	_ =	shalt  }
0x5b: {  	_ =	shalt  }
0x5c: {  	_ =	shalt  }
0x5d: {  	_ =	shalt  }
0x5e: {  	_ =	shalt  }
0x5f: {  	_ =	shalt  }
0x60: {  	_ =	shalt  }
0x61: {  	_ =	shalt  }
0x62: {  	_ =	shalt  }
0x63: {  	_ =	shalt  }
0x64: {  	_ =	shalt  }
0x65: {  	_ =	shalt  }
0x66: {  	_ =	shalt  }
0x67: {  	_ =	shalt  }
0x68: {  	_ =	shalt  }
0x69: {  	_ =	shalt  }
0x6a: {  	_ =	shalt  }
0x6b: {  	_ =	shalt  }
0x6c: {  	_ =	shalt  }
0x6d: {  	_ =	shalt  }
0x6e: {  	_ =	shalt  }
0x6f: {  	_ =	shalt  }
0x70: {  	_ =	shalt  }
0x71: {  	_ =	shalt  }
0x72: {  	_ =	shalt  }
0x73: {  	_ =	shalt  }
0x74: {  	_ =	shalt  }
0x75: {  	_ =	shalt  }
0x76: {  	_ =	shalt  }
0x77: {  	_ =	shalt  }
0x78: {  	_ =	shalt  }
0x79: {  	_ =	shalt  }
0x7a: {  	_ =	shalt  }
0x7b: {  	_ =	shalt  }
0x7c: {  	_ =	shalt  }
0x7d: {  	_ =	shalt  }
0x7e: {  	_ =	shalt  }
0x7f: {  	_ =	shalt  }
0x80: {  	_ =	shalt  }
0x81: {  	_ =	shalt  }
0x82: {  	_ =	shalt  }
0x83: {  	_ =	shalt  }
0x84: {  	_ =	shalt  }
0x85: {  	_ =	shalt  }
0x86: {  	_ =	shalt  }
0x87: {  	_ =	shalt  }
.Lfunc_end0:
.L_simem_size_0:
called_computation_lowered:
.L_overlay_start_0:
0x88: {  	s2 =	sld [smem:$0x3FD9]  }
0x89: {  	s3 =	sld [smem:$0x3FFE];
	_ =	sdelay $0x1  }
0x8a: {  	s1 =	srdreg.scid  }
0x8b: {  	s0 =	sand.u32 $0x1, s1  }
0x8c: {  	s17 =	sshll.u32 s0, $0xA;
	s2 =	sadd.s32 s3, s2  }
0x8d: {  	s2 =	sadd.s32 s2, s17  }
0x8e: {  	[smem:$0x3FC2] =	sst s2  }
0x8f: {  	_ = 	snop  }
0x90: {  	s2 =	sld [smem:$0x3FC9]  }
0x91: {  	s18 =	sld [smem:$0x3FD0];
	(tm) =	ssettm $0x1  }
0x92: {  	s4 =	sld [smem:$0x3FFB];
	_ =	sdelay $0x3  }
0x93: {  	_ =	strace s4  }
0x94: {  	s4 =	sld [smem:$0x3FFC];
	_ =	sdelay $0x3  }
0x95: {  	_ =	strace s4  }
0x96: {  	s4 =	sld [smem:$0x3FFD];
	_ =	sdelay $0x3  }
0x97: {  	_ =	strace s4  }
0x98: {  	_ =	strace $0x8FFFFFFF  }
0x99: {  	s19 =	sld [smem:$0x3FDB];
	_ =	sdelay $0x1  }
0x9a: {  	s5 =	simm.s32 $_scs_section_size  }
0x9b: {  	s6 =	simm.s32 $_size__tile_overlayer_lowered;
	s7 =	simm.s32 $_tile_overlayer_lowered  }
0x9c: {  	s22 =	simm.s32 $0x1BFF;
	s21 =	sshll.u32 s7, $0x1;
	s4 =	sadd.s32 s5, s19  }
0x9d: {  	s8 =	simm.s32 $0x0;
	s20 =	sshll.u32 s6, $0x1;
	s6 =	sadd.s32 s21, s4  }
0x9e: {  	[timem:s8], [sflag:s22] =	dma.local [hbm:s6], s20  }
0x9f: {  	_ =	swait.ge [sflag:s22], s20  }
0xa0: {  	s5 =	ssub.s32 $0x0, s20;
	[sflag:s22] =	ssyncset.done $0x0  }
0xa1: {  	[sflag:s22] =	ssyncadd.s32 s5;
	_ =	sdelay $0x1  }
0xa2: {  	s23 =	simm.s32 $0x1B8B  }
0xa3: {  	_ =	swait.ge [sflag:s23], $0x1  }
0xa4: {  	[sflag:s23] =	ssyncset.done $0x0  }
0xa5: {  	s25 =	simm.s32 $0x1B8E;
	s24 =	sld [smem:$0x3FFE];
	[sflag:s23] =	ssyncadd.s32 $0xFFFFFFFF  }
0xa6: {  	s26 =	simm.s32 $execute0_lowered;
	[smem:$0x3FD2] =	sst s25  }
0xa7: {  	s6 =	sshll.u32 s26, $0x1;
	_ =	strace $0x80000046;
	[dreg:$0x1] =	wrdreg $0xFFFFFFFF  }
0xa8: {  	s28 =	simm.s32 $_size_execute0_lowered;
	s4 =	sadd.s32 s4, s6;
	[dreg:$0x0] =	wrdreg $0x0  }
0xa9: {  	s6 =	sshll.u32 s28, $0x1;
	[dreg:$0x2] =	wrdreg s4  }
0xaa: {  	[dreg:$0x3] =	wrdreg s6  }
0xab: {  	[dreg:$0x4] =	wrdreg $0xC0  }
0xac: {  	_ =	task [dreg:s8], $0x5FFFF  }
0xad: {  	[dreg:$0x1] =	wrdreg $0xFFFFFFFF  }
0xae: {  	[dreg:$0x0] =	wrdreg $0x60  }
0xaf: {  	[dreg:$0x2] =	wrdreg s24  }
0xb0: {  	[dreg:$0x3] =	wrdreg s2  }
0xb1: {  	[dreg:$0x4] =	wrdreg s18  }
0xb2: {  	[dreg:$0x5] =	wrdreg $0x9  }
0xb3: {  	_ =	task.clear_ibuf [dreg:s8], $0x6FFFF;
	_ =	strace $0x90000046  }
0xb4: {  	s29 =	simm.s32 $0x9;
	_ =	strace $0x80000048  }
0xb5: {  	_ =	swait.ge [sflag:s29], $0x1  }
0xb6: {  	[sflag:s29] =	ssyncadd.s32 $0xFFFFFFFF  }
0xb7: {  	_ =	strace $0x90000048  }
0xb8: {  	_ =	sfence  }
0xb9: {  	s30 =	sld [smem:$0x0];
	_ =	sdelay $0x2  }
0xba: {  	s31 =	sshll.u32 s1, $0xD;
	s1 =	sshrl.u32 s1, $0x2  }
0xbb: {  	s3 =	sand.u32 $0x4000, s31;
	s1 =	sadd.s32 s1, s30  }
0xbc: {  	s0 =	sor.u32 s3, s0;
	s1 =	sshll.u32 s1, $0x11  }
0xbd: {  	s0 =	sor.u32 s1, s0  }
0xbe: {  	s0 =	sadd.s32 $0x8F2B, s0  }
0xbf: {  	[sflag:s0] =	ssyncadd.remote.s32 $0x1  }
0xc0: {  	_ =	sfence.sel $0xFFFF  }
0xc1: {  	[dreg:$0x0] =	wrdreg $0xFFFFFFFF;
	(pc) =	sbr.abs _section_cstart, $3  }
0xc2: {  	[dreg:$0x1] =	wrdreg $0xFFFFFFFF  }
0xc3: {  	_ =	task.clear_ibuf [dreg:s8], $0x2FFFF;
	_ =	strace $0x9FFFFFFF  }
0xc4: {  	(tm) =	ssettm $0x7FFFFFFF  }
0xc5: {  	_ =	shalt  }
tec
execute0_lowered:
.L_overlay_start_1:
0x0: {  	(tag) =	ssettag $0x1  }
0x1: {  	s1 =	srdreg.scid  }
0x2: {  	s10 =	sand.u32 $0x1, s1;
	s1 =	stileid.u32  }
0x3: {  	s5 =	sshll.u32 s1, $0x1;
	s7 =	ssub.s32 $0x0, s10  }
0x4: {  	p0 =	sne.s32 s5, s7  }
.Ltmp0:
0x5: {  	s6 =	rddreg [dreg:$0x0];
	(pc) =	sbr.rel @p0 .LBB2_4-.Ltmp0, $4  }
0x6: {  	s2 =	rddreg [dreg:$0x1]  }
0x7: {  	s3 =	rddreg [dreg:$0x2];
	s4 =	simm.s32 $0x0  }
0x8: {  	[smem:$0x7FF] =	sst s4  }
0x9: {  	s0 =	rddreg [dreg:$0x3];
	_ =	strace $0x80000047  }
0xa: {  	s5 =	simm.s32 $0x1  }
0xb: {  	[tilespmem:s4], [sflag:$0x1] =	stream.linear.gather [hbm4b:s2+s4], $0x2, $0x38;
	[tilespmem:$0x280] =	vst v63  }
0xc: {  	_ =	swait.ge [sflag:s5], $0x2  }
0xd: {  	[sflag:s5] =	ssyncset.done $0x0  }
0xe: {  	[sflag:s5] =	ssyncadd.s32 $0xFFFFFFFE  }
0xf: {  	v0 =	vld [tilespmem:$0x0];
	_ =	sdelay $0x4  }
0x10: {  	(v2sf) =	vpush v0, $0x0;
	_ =	sdelay $0x2  }
0x11: {  	(v2sf) =	vpush v0, $0x1;
	_ =	sdelay $0xb  }
0x12: {  	s7 =	spop (v2sf)  }
0x13: {  	s8 =	sshll.u32 s7, $0x8;
	s7 =	sshll.u32 s7, $0x7  }
0x14: {  	s8 =	sand.u32 $0xFFFFF800, s8;
	s9 =	sand.u32 $0x380, s7  }
0x15: {  	s6 =	sadd.s32 $0xA00, s6;
	s11 =	spop (v2sf);
	s9 =	sor.u32 s9, s8  }
0x16: {  	s7 =	simm.s32 $0x80;
	s12 =	sshll.u32 s11, $0x8;
	s9 =	sshrl.u32 s9, $0x3  }
0x17: {  	s11 =	sshll.u32 s11, $0x7;
	s8 =	simm.s32 $0x180;
	s9 =	sadd.s32 s6, s9  }
0x18: {  	[tilespmem:s7], [sflag:$0x1] =	stream.linear.gather [hbm4b:s9+s4], $0x80, $0x38;
	[tilespmem:$0x280] =	vst v63  }
0x19: {  	s12 =	sand.u32 $0xFFFFF800, s12;
	s11 =	sand.u32 $0x380, s11;
	s9 =	sadd.s32 $0x80, s9  }
0x1a: {  	[tilespmem:s8], [sflag:$0x1] =	stream.linear.gather [hbm4b:s9+s4], $0x80, $0x38;
	[tilespmem:$0x280] =	vst v63  }
0x1b: {  	s29 =	sor.u32 s11, s12;
	_ =	swait.ge [sflag:s5], $0x100  }
0x1c: {  	s30 =	ssub.s32 $0x2, s10;
	s11 =	sshrl.u32 s29, $0x3;
	[sflag:s5] =	ssyncset.done $0x0  }
0x1d: {  	s11 =	sadd.s32 s6, s11;
	s9 =	simm.s32 $0x100;
	[sflag:s5] =	ssyncadd.s32 $0xFFFFFF00  }
0x1e: {  	[tilespmem:s9], [sflag:$0x1] =	stream.linear.gather [hbm4b:s11+s4], $0x80, $0x38;
	[tilespmem:$0x280] =	vst v63  }
0x1f: {  	s10 =	simm.s32 $0x200;
	s31 =	sshrl.u32 s30, $0x1;
	s11 =	sadd.s32 $0x80, s11  }
0x20: {  	[tilespmem:s10], [sflag:$0x1] =	stream.linear.gather [hbm4b:s11+s4], $0x80, $0x38;
	[tilespmem:$0x280] =	vst v63  }
0x21: {  	s11 =	ssub.s32 s30, s31  }
0x22: {  	s11 =	smax.u32 s11, $0x1  }
0x23: {  	_ =	swait.ge [sflag:s5], $0x100;
	p0 =	sne.s32 s11, $0x1  }
.Ltmp1:
0x24: {  	[sflag:s5] =	ssyncset.done $0x0;
	(pc) =	sbr.rel @!p0 .LBB2_3-.Ltmp1, $4  }
0x25: {  	[sflag:s5] =	ssyncadd.s32 $0xFFFFFF00  }
0x26: {  	[hbm4b:s3+s4] =	stream.linear.scatter [tilespmem:s7], [sflag:$0x1], $0x200, $0x38;
	[tilespmem:$0x280] =	vst v63  }
0x27: {  	_ =	swait.ge [sflag:s5], $0x200  }
0x28: {  	s11 =	sadd.s32 $0xFFFFFFFF, s11;
	[sflag:s5] =	ssyncset.done $0x0  }
.LBB2_2:
0x29: {  	p0 =	sne.s32 s11, $0x1;
	s11 =	sadd.s32 $0xFFFFFFFF, s11;
	[sflag:s5] =	ssyncadd.s32 $0xFFFFFE00  }
0x2a: {  	[tilespmem:s4], [sflag:$0x1] =	stream.linear.gather [hbm4b:s2+s4], $0x2, $0x38;
	[tilespmem:$0x280] =	vst v63  }
0x2b: {  	_ =	swait.ge [sflag:s5], $0x2  }
0x2c: {  	[sflag:s5] =	ssyncset.done $0x0  }
0x2d: {  	[sflag:s5] =	ssyncadd.s32 $0xFFFFFFFE  }
0x2e: {  	v0 =	vld [tilespmem:$0x0];
	_ =	sdelay $0x4  }
0x2f: {  	(v2sf) =	vpush v0, $0x0  }
0x30: {  	(v2sf) =	vpush v0, $0x1;
	_ =	sdelay $0xd  }
0x31: {  	s12 =	spop (v2sf)  }
0x32: {  	s13 =	sshll.u32 s12, $0x8;
	s12 =	sshll.u32 s12, $0x7;
	s14 =	spop (v2sf)  }
0x33: {  	s13 =	sand.u32 $0xFFFFF800, s13;
	s12 =	sand.u32 $0x380, s12;
	s15 =	sshll.u32 s14, $0x8  }
0x34: {  	s12 =	sor.u32 s12, s13;
	s13 =	sshll.u32 s14, $0x7  }
0x35: {  	s14 =	sand.u32 $0xFFFFF800, s15;
	s12 =	sshrl.u32 s12, $0x3;
	s13 =	sand.u32 $0x380, s13  }
0x36: {  	s12 =	sadd.s32 s6, s12;
	s13 =	sor.u32 s13, s14  }
0x37: {  	[tilespmem:s7], [sflag:$0x1] =	stream.linear.gather [hbm4b:s12+s4], $0x80, $0x38;
	[tilespmem:$0x280] =	vst v63  }
0x38: {  	s12 =	sadd.s32 $0x80, s12;
	s13 =	sshrl.u32 s13, $0x3  }
0x39: {  	[tilespmem:s8], [sflag:$0x1] =	stream.linear.gather [hbm4b:s12+s4], $0x80, $0x38;
	[tilespmem:$0x280] =	vst v63  }
0x3a: {  	_ =	swait.ge [sflag:s5], $0x100  }
0x3b: {  	[sflag:s5] =	ssyncset.done $0x0  }
0x3c: {  	s12 =	sadd.s32 s6, s13;
	[sflag:s5] =	ssyncadd.s32 $0xFFFFFF00  }
0x3d: {  	[tilespmem:s9], [sflag:$0x1] =	stream.linear.gather [hbm4b:s12+s4], $0x80, $0x38;
	[tilespmem:$0x280] =	vst v63  }
0x3e: {  	s12 =	sadd.s32 $0x80, s12  }
0x3f: {  	[tilespmem:s10], [sflag:$0x1] =	stream.linear.gather [hbm4b:s12+s4], $0x80, $0x38;
	[tilespmem:$0x280] =	vst v63  }
0x40: {  	_ =	swait.ge [sflag:s5], $0x100  }
.Ltmp2:
0x41: {  	[sflag:s5] =	ssyncset.done $0x0;
	(pc) =	sbr.rel @p0 .LBB2_2-.Ltmp2, $4  }
0x42: {  	[sflag:s5] =	ssyncadd.s32 $0xFFFFFF00  }
0x43: {  	[hbm4b:s3+s4] =	stream.linear.scatter [tilespmem:s7], [sflag:$0x1], $0x200, $0x38;
	[tilespmem:$0x280] =	vst v63  }
0x44: {  	_ =	swait.ge [sflag:s5], $0x200  }
0x45: {  	[sflag:s5] =	ssyncset.done $0x0  }
.LBB2_3:
0x46: {  	[sflag:s5] =	ssyncadd.s32 $0xFFFFFE00  }
.LBB2_4:
0x47: {  	_ =	sfence.sel $0x180000  }
0x48: {  	[bflag:$0x0] =	sbarrier.arrive $0xFFFF  }
0x49: {  	p0 =	sne.s32 s1, $0x0;
	_ =	strace $0x90000047  }
0x4a: {  	s0 =	sadd.s32 @!p0 $0x100000, s0;
	[bflag:$0x2] =	sbarrier.arrive $0xFFFF  }
0x4b: {  	[sflag:s0] =	ssyncadd.tile.s32 @!p0 $0x1;
	_ =	shalt  }
.Lfunc_end2:
_tile_overlayer_lowered:
.L_overlay_start_2:
0x4c: {  	(tag) =	ssettag $0x2  }
0x4d: {  	s0 =	rddreg [dreg:$0x0];
	s2 =	stileid.u32  }
0x4e: {  	s1 =	rddreg [dreg:$0x1];
	p0 =	sne.s32 s2, $0x0  }
0x4f: {  	s3 =	rddreg [dreg:$0x2];
	[bflag:$0x3] =	sbarrier.arrive $0xFFFF;
	s2 =	simm.s32 @!p0 $0x1C01  }
0x50: {  	[timem:s3], [sflag:s2] =	dma.local @!p0 [hbm:s0], s1  }
0x51: {  	s0 =	simm.s32 @!p0 $0x1  }
0x52: {  	_ =	swait.ge @!p0 [sflag:s0], s1  }
0x53: {  	s1 =	ssub.s32 @!p0 $0x0, s1;
	[sflag:s0] =	ssyncset.done @!p0 $0x0  }
0x54: {  	[sflag:s0] =	ssyncadd.s32 @!p0 s1  }
0x55: {  	[bflag:$0x3] =	sbarrier.arrive $0xFFFF  }
0x56: {  	_ =	shalt  }

</sc_bundles>
